<compile_context>
chip_gen: v7x
topology: tpu7x:2x2x1
jax: 0.10.2.dev20260603
libtpu: 0.0.44.dev20260713+nightly
codegen_flags: <defaults>
</compile_context>

<pallas_src>
import jax
import jax.numpy as jnp
from jax import lax
from jax.experimental import pallas as pl
from jax.experimental.pallas import tpu as pltpu

D = 1024
VQ = 256
M = 1024
TILE_M = 1024


def _dot(a, b, prec):
    return lax.dot_general(a, b, (((1,), (0,)), ((), ())), precision=prec,
                           preferred_element_type=jnp.float32)


def _dot_t(a, b, prec):
    return lax.dot_general(a, b, (((1,), (1,)), ((), ())), precision=prec,
                           preferred_element_type=jnp.float32)


def _vq_kernel(xrec_ref, p_ref, cb_ref, out_ref, cbn_ref):
    dp = lax.Precision.DEFAULT

    @pl.when(pl.program_id(0) == 0)
    def _normalize_codebook():
        cb = cb_ref[...]
        cbn_ref[...] = cb / jnp.sqrt(jnp.sum(cb * cb, axis=-1, keepdims=True))

    xrec = xrec_ref[...]
    feat = _dot(xrec, p_ref[...], dp)
    feat = feat / jnp.sqrt(jnp.sum(feat * feat, axis=-1, keepdims=True))
    sim = _dot_t(feat, cbn_ref[...], dp)
    mx = jnp.max(sim, axis=-1, keepdims=True)
    lane = lax.broadcasted_iota(jnp.int32, sim.shape, 1)
    idx = jnp.min(jnp.where(sim == mx, lane, jnp.int32(2**30)), axis=-1)
    out_ref[...] = idx[:, None]


@jax.jit
def kernel(x, projector, codebook):
    B, T, _ = x.shape
    ntok = B * T

    linear = jnp.arange(D // 2 + 1, dtype=x.dtype)
    x_fft = jnp.fft.rfft(x.reshape(64, ntok // 64, D), axis=-1)
    magnitude = jnp.abs(x_fft)
    phase = jnp.angle(x_fft)
    phase = phase - phase[:, :, 1:2] * linear
    x_recon = magnitude * jnp.exp(1j * phase)
    xrec2 = jnp.fft.irfft(x_recon, axis=-1).reshape(ntok, D)
    cb = codebook.reshape(M, VQ)

    grid = (ntok // TILE_M,)
    out = pl.pallas_call(
        _vq_kernel,
        grid=grid,
        in_specs=[
            pl.BlockSpec((TILE_M, D), lambda i: (i, 0)),
            pl.BlockSpec((D, VQ), lambda i: (0, 0)),
            pl.BlockSpec((M, VQ), lambda i: (0, 0)),
        ],
        out_specs=pl.BlockSpec((TILE_M, 1), lambda i: (i, 0)),
        out_shape=jax.ShapeDtypeStruct((ntok, 1), jnp.int32),
        scratch_shapes=[pltpu.VMEM((M, VQ), jnp.float32)],
    )(xrec2, projector, cb)
    return out.reshape(B, T, 1, 1)

# --- scband reference (transcript-rebuilt; emitter-appended) ---
"""Pipeline reference for scband-quantize-57354993271279 (READ-ONLY COPY).

The authoritative reference and input builder live on the scoring server;
editing this copy changes nothing except your own understanding.
"""

import jax, jax.numpy as jnp
import numpy as np


def setup_inputs(seed: int = 0) -> dict:
    key = jax.random.key(seed)
    k1, k2, k3 = jax.random.split(key, 3)
    B, T, D = 4, 2048, 1024
    vq_dim, C, M = 256, 1, 1024
    x = jax.random.normal(k1, (B, T, D), dtype=jnp.float32)
    # xavier_normal_ init for projector: std = sqrt(2 / (fan_in + fan_out))
    std = (2.0 / (D + vq_dim)) ** 0.5
    projector = jax.random.normal(k2, (D, vq_dim), dtype=jnp.float32) * std
    codebook = jax.random.normal(k3, (C, M, vq_dim), dtype=jnp.float32)
    return {"x": x, "projector": projector, "codebook": codebook}


def reference(x, projector, codebook):
    D = x.shape[-1]
    linear = jnp.arange(D // 2 + 1, dtype=x.dtype)
    x_fft = jnp.fft.rfft(x, axis=-1)
    magnitude = jnp.abs(x_fft)
    phase = jnp.angle(x_fft)
    phase = phase - phase[:, :, 1:2] * linear
    x_recon = magnitude * jnp.exp(1j * phase)
    x_recon = jnp.fft.irfft(x_recon, axis=-1)[..., None, :]  # [B, T, 1, D]
    x_feature = x_recon @ projector  # [B, T, 1, vq_dim]
    x_feature = x_feature / jnp.linalg.norm(x_feature, axis=-1, keepdims=True)
    cb = codebook / jnp.linalg.norm(codebook, axis=-1, keepdims=True)
    similarity = jnp.einsum('btnd,cmd->btncm', x_feature, cb)  # [B, T, 1, C, M]
    idx = jnp.argmax(similarity, axis=-1)  # [B, T, 1, C]
    return idx

if __name__ == "__main__":
    import jax
    _d = setup_inputs()
    print(jax.jit(kernel)(*tuple(_d.values())))

</pallas_src>

<mosaic_0001>
module attributes {stable_mosaic.version = 14 : i64} {
  func.func @_vq_kernel(%arg0: i32, %arg1: memref<1024x1024xf32, #tpu.memory_space<vmem>>, %arg2: memref<1024x256xf32, #tpu.memory_space<vmem>>, %arg3: memref<1024x256xf32, #tpu.memory_space<vmem>>, %arg4: memref<1024x1xi32, #tpu.memory_space<vmem>>, %arg5: memref<1024x256xf32, #tpu.memory_space<vmem>>) attributes {dimension_semantics = [#tpu.dimension_semantics<arbitrary>], iteration_bounds = array<i64: 8>, scalar_prefetch = 0 : i64, scratch_operands = 1 : i64, tpu.core_type = #tpu.core_type<tc>, window_params = [{transform_indices = @transform_0, window_bounds = array<i64: 1024, 1024>}, {pipeline_mode = #tpu.pipeline_mode<synchronous>, transform_indices = @transform_1, window_bounds = array<i64: 1024, 256>}, {pipeline_mode = #tpu.pipeline_mode<synchronous>, transform_indices = @transform_2, window_bounds = array<i64: 1024, 256>}, {transform_indices = @transform_3, window_bounds = array<i64: 1024, 1>}]} {
    %eq3A = arith.constant 0 : i32
    %eq3A_0 = arith.cmpi eq, %arg0, %eq3A : i32
    %convert_element_type3A = arith.extui %eq3A_0 : i1 to i32
    %cond3A = arith.constant 0 : i32
    %cond3A_1 = arith.cmpi ne, %convert_element_type3A, %cond3A : i32
    scf.if %cond3A_1 {
      %get3A_24 = arith.constant 0 : index
      %get3A_25 = arith.constant 0 : index
      %get3A_26 = vector.load %arg3[%get3A_24, %get3A_25] : memref<1024x256xf32, #tpu.memory_space<vmem>>, vector<1024x256xf32>
      %mul3A_27 = arith.mulf %get3A_26, %get3A_26 : vector<1024x256xf32>
      %reduce_sum3A_28 = arith.constant dense<0.000000e+00> : vector<1024xf32>
      %reduce_sum3A_29 = vector.multi_reduction <add>, %mul3A_27, %reduce_sum3A_28 [1] : vector<1024x256xf32> to vector<1024xf32>
      %broadcast_in_dim3A_30 = vector.shape_cast %reduce_sum3A_29 : vector<1024xf32> to vector<1024x1xf32>
      %sqrt3A_31 = math.sqrt %broadcast_in_dim3A_30 : vector<1024x1xf32>
      %div3A_32 = vector.broadcast %sqrt3A_31 : vector<1024x1xf32> to vector<1024x256xf32>
      %div3A_33 = arith.divf %get3A_26, %div3A_32 : vector<1024x256xf32>
      %swap3A_34 = arith.constant 0 : index
      %swap3A_35 = arith.constant 0 : index
      %swap3A_36 = vector.load %arg5[%swap3A_34, %swap3A_35] : memref<1024x256xf32, #tpu.memory_space<vmem>>, vector<1024x256xf32>
      tpu.vector_store %arg5[%swap3A_34, %swap3A_35], %div3A_33 {strides = array<i32>} : memref<1024x256xf32, #tpu.memory_space<vmem>>, vector<1024x256xf32>,
    } else {
    }
    %get3A = arith.constant 0 : index
    %get3A_2 = arith.constant 0 : index
    %get3A_3 = vector.load %arg1[%get3A, %get3A_2] : memref<1024x1024xf32, #tpu.memory_space<vmem>>, vector<1024x1024xf32>
    %get3A_4 = arith.constant 0 : index
    %get3A_5 = arith.constant 0 : index
    %get3A_6 = vector.load %arg2[%get3A_4, %get3A_5] : memref<1024x256xf32, #tpu.memory_space<vmem>>, vector<1024x256xf32>
    %dot_general3A = arith.constant dense<0.000000e+00> : vector<1024x256xf32>
    %dot_general3A_7 = tpu.matmul %get3A_3, %get3A_6, %dot_general3A {dimension_numbers = #tpu.dot_dimension_numbers<[1], [0], [0], [1], [0, 0, 1, 1], [], []>, transpose_lhs_hint = false} : vector<1024x1024xf32>, vector<1024x256xf32>, vector<1024x256xf32> -> vector<1024x256xf32>
    %mul3A = arith.mulf %dot_general3A_7, %dot_general3A_7 : vector<1024x256xf32>
    %reduce_sum3A = arith.constant dense<0.000000e+00> : vector<1024xf32>
    %reduce_sum3A_8 = vector.multi_reduction <add>, %mul3A, %reduce_sum3A [1] : vector<1024x256xf32> to vector<1024xf32>
    %broadcast_in_dim3A = vector.shape_cast %reduce_sum3A_8 : vector<1024xf32> to vector<1024x1xf32>
    %sqrt3A = math.sqrt %broadcast_in_dim3A : vector<1024x1xf32>
    %div3A = vector.broadcast %sqrt3A : vector<1024x1xf32> to vector<1024x256xf32>
    %div3A_9 = arith.divf %dot_general3A_7, %div3A : vector<1024x256xf32>
    %get3A_10 = arith.constant 0 : index
    %get3A_11 = arith.constant 0 : index
    %get3A_12 = vector.load %arg5[%get3A_10, %get3A_11] : memref<1024x256xf32, #tpu.memory_space<vmem>>, vector<1024x256xf32>
    %dot_general3A_13 = arith.constant dense<0.000000e+00> : vector<1024x1024xf32>
    %dot_general3A_14 = tpu.matmul %div3A_9, %get3A_12, %dot_general3A_13 {dimension_numbers = #tpu.dot_dimension_numbers<[1], [1], [0], [0], [0, 0, 1, 0], [], []>, transpose_lhs_hint = false} : vector<1024x256xf32>, vector<1024x256xf32>, vector<1024x1024xf32> -> vector<1024x1024xf32>
    %reduce_max3A = arith.constant dense<0xFF800000> : vector<1024xf32>
    %reduce_max3A_15 = vector.multi_reduction <maximumf>, %dot_general3A_14, %reduce_max3A [1] : vector<1024x1024xf32> to vector<1024xf32>
    %broadcast_in_dim3A_16 = vector.shape_cast %reduce_max3A_15 : vector<1024xf32> to vector<1024x1xf32>
    %iota3A = tpu.iota {dimensions = array<i32: 1>} : vector<1024x1024xi32>
    %eq3A_17 = vector.broadcast %broadcast_in_dim3A_16 : vector<1024x1xf32> to vector<1024x1024xf32>
    %eq3A_18 = arith.cmpf oeq, %dot_general3A_14, %eq3A_17 : vector<1024x1024xf32>
    %jit3A = arith.constant 1073741824 : i32
    %broadcast_in_dim3A_19 = vector.broadcast %jit3A : i32 to vector<1024x1024xi32>
    %select_n3A = arith.select %eq3A_18, %iota3A, %broadcast_in_dim3A_19 : vector<1024x1024xi1>, vector<1024x1024xi32>
    %reduce_min3A = arith.constant dense<2147483647> : vector<1024xi32>
    %reduce_min3A_20 = vector.multi_reduction <minsi>, %select_n3A, %reduce_min3A [1] : vector<1024x1024xi32> to vector<1024xi32>
    %broadcast_in_dim3A_21 = vector.shape_cast %reduce_min3A_20 : vector<1024xi32> to vector<1024x1xi32>
    %swap3A = arith.constant 0 : index
    %swap3A_22 = arith.constant 0 : index
    %swap3A_23 = vector.load %arg4[%swap3A, %swap3A_22] : memref<1024x1xi32, #tpu.memory_space<vmem>>, vector<1024x1xi32>
    tpu.vector_store %arg4[%swap3A, %swap3A_22], %broadcast_in_dim3A_21 {strides = array<i32>} : memref<1024x1xi32, #tpu.memory_space<vmem>>, vector<1024x1xi32>,
    return
  }
  func.func @transform_0(%arg0: i32) -> (i32, i32) {
    %c0_i32 = arith.constant 0 : i32
    %c0_i32_0 = arith.constant 0 : i32
    return %arg0, %c0_i32 : i32, i32
  }
  func.func @transform_1(%arg0: i32) -> (i32, i32) {
    %c0_i32 = arith.constant 0 : i32
    %c0_i32_0 = arith.constant 0 : i32
    %c0_i32_1 = arith.constant 0 : i32
    return %c0_i32, %c0_i32_0 : i32, i32
  }
  func.func @transform_2(%arg0: i32) -> (i32, i32) {
    %c0_i32 = arith.constant 0 : i32
    %c0_i32_0 = arith.constant 0 : i32
    %c0_i32_1 = arith.constant 0 : i32
    return %c0_i32, %c0_i32_0 : i32, i32
  }
  func.func @transform_3(%arg0: i32) -> (i32, i32) {
    %c0_i32 = arith.constant 0 : i32
    %c0_i32_0 = arith.constant 0 : i32
    return %arg0, %c0_i32 : i32, i32
  }
}

</mosaic_0001>

<sc_bundles>
// kernel: sparse-core-data-format-call.1.cloned.1.call-start
scs
called_computation.1_lowered:
.L_overlay_start_0:
0x0: {  	s1 =	sld [smem:$0x3FD9]  }
0x1: {  	s2 =	sld [smem:$0x3FFE];
	_ =	sdelay $0x1  }
0x2: {  	s3 =	srdreg.scid  }
0x3: {  	s0 =	sand.u32 $0x1, s3  }
0x4: {  	s17 =	sshll.u32 s0, $0xA;
	s1 =	sadd.s32 s2, s1  }
0x5: {  	s1 =	sadd.s32 s1, s17  }
0x6: {  	[smem:$0x3FC5] =	sst s1  }
0x7: {  	_ = 	snop  }
0x8: {  	(tm) =	ssettm $0x1  }
0x9: {  	s18 =	sld [smem:$0x3FFB];
	_ =	sdelay $0x3  }
0xa: {  	_ =	strace s18  }
0xb: {  	s1 =	sld [smem:$0x3FFC];
	_ =	sdelay $0x3  }
0xc: {  	_ =	strace s1  }
0xd: {  	s1 =	sld [smem:$0x3FFD];
	_ =	sdelay $0x3  }
0xe: {  	_ =	strace s1  }
0xf: {  	_ =	strace $0x8FFFFFFF  }
0x10: {  	s19 =	sld [smem:$0x3FDB];
	_ =	sdelay $0x1  }
0x11: {  	s20 =	simm.s32 $_scs_section_size  }
0x12: {  	s4 =	simm.s32 $_size__tile_overlayer_lowered;
	s5 =	simm.s32 $_tile_overlayer_lowered  }
0x13: {  	s23 =	simm.s32 $0x1BFF;
	s22 =	sshll.u32 s5, $0x1;
	s1 =	sadd.s32 s20, s19  }
0x14: {  	s6 =	simm.s32 $0x0;
	s21 =	sshll.u32 s4, $0x1;
	s4 =	sadd.s32 s22, s1  }
0x15: {  	[timem:s6], [sflag:s23] =	dma.local [hbm:s4], s21  }
0x16: {  	_ =	swait.ge [sflag:s23], s21  }
0x17: {  	s2 =	ssub.s32 $0x0, s21;
	[sflag:s23] =	ssyncset.done $0x0  }
0x18: {  	[sflag:s23] =	ssyncadd.s32 s2;
	_ =	sdelay $0x1  }
0x19: {  	s24 =	simm.s32 $0x1B8B  }
0x1a: {  	_ =	swait.ge [sflag:s24], $0x1  }
0x1b: {  	[sflag:s24] =	ssyncset.done $0x0  }
0x1c: {  	s26 =	simm.s32 $0x1B8E;
	s25 =	sld [smem:$0x3FFE];
	[sflag:s24] =	ssyncadd.s32 $0xFFFFFFFF  }
0x1d: {  	s27 =	simm.s32 $execute0_lowered;
	[smem:$0x3FD2] =	sst s26  }
0x1e: {  	s4 =	sshll.u32 s27, $0x1;
	_ =	strace $0x80000049;
	[dreg:$0x1] =	wrdreg $0xFFFFFFFF  }
0x1f: {  	s28 =	simm.s32 $_size_execute0_lowered;
	s1 =	sadd.s32 s1, s4;
	[dreg:$0x0] =	wrdreg $0x0  }
0x20: {  	s4 =	sshll.u32 s28, $0x1;
	[dreg:$0x2] =	wrdreg s1  }
0x21: {  	[dreg:$0x3] =	wrdreg s4  }
0x22: {  	[dreg:$0x4] =	wrdreg $0xC0  }
0x23: {  	_ =	task [dreg:s6], $0x5FFFF  }
0x24: {  	[dreg:$0x1] =	wrdreg $0xFFFFFFFF  }
0x25: {  	[dreg:$0x0] =	wrdreg $0x60  }
0x26: {  	[dreg:$0x2] =	wrdreg s25  }
0x27: {  	[dreg:$0x3] =	wrdreg $0x9  }
0x28: {  	_ =	task.clear_ibuf [dreg:s6], $0x4FFFF;
	_ =	strace $0x90000049  }
0x29: {  	s29 =	simm.s32 $0x9;
	_ =	strace $0x8000004B  }
0x2a: {  	_ =	swait.ge [sflag:s29], $0x1  }
0x2b: {  	[sflag:s29] =	ssyncadd.s32 $0xFFFFFFFF  }
0x2c: {  	_ =	strace $0x9000004B  }
0x2d: {  	_ =	sfence  }
0x2e: {  	s30 =	sld [smem:$0x0];
	_ =	sdelay $0x2  }
0x2f: {  	s31 =	sshll.u32 s3, $0xD;
	s3 =	sshrl.u32 s3, $0x2  }
0x30: {  	s2 =	sand.u32 $0x4000, s31;
	s1 =	sadd.s32 s3, s30  }
0x31: {  	s0 =	sor.u32 s2, s0;
	s1 =	sshll.u32 s1, $0x11  }
0x32: {  	s0 =	sor.u32 s1, s0  }
0x33: {  	s0 =	sadd.s32 $0x8F2B, s0  }
0x34: {  	[sflag:s0] =	ssyncadd.remote.s32 $0x1  }
0x35: {  	_ =	sfence.sel $0xFFFF  }
0x36: {  	[dreg:$0x0] =	wrdreg $0xFFFFFFFF;
	(pc) =	sbr.abs _section_cstart, $3  }
0x37: {  	[dreg:$0x1] =	wrdreg $0xFFFFFFFF  }
0x38: {  	_ =	task.clear_ibuf [dreg:s6], $0x2FFFF;
	_ =	strace $0x9FFFFFFF  }
0x39: {  	(tm) =	ssettm $0x7FFFFFFF  }
tec
execute0_lowered:
.L_overlay_start_1:
0x0: {  	(tag) =	ssettag $0x1  }
0x1: {  	s1 =	rddreg [dreg:$0x0]  }
0x2: {  	s0 =	rddreg [dreg:$0x1];
	_ =	strace $0x8000004A  }
0x3: {  	s4 =	srdreg.scid;
	s6 =	simm.s32 $0x2;
	s12 =	simm.s32 $0x0  }
0x4: {  	p0 =	por $0x0, $0x0;
	s11 =	simm.s32 $0x0;
	s13 =	simm.s32 $0x0  }
.Ltmp0:
0x5: {  	s8 =	simm.s32 $0x0;
	s9 =	simm.s32 $0x0;
	(pc) =	sbr.rel .LBB1_1-.Ltmp0, $4  }
0x6: {  	s2 =	sadd.s32 $0x102400, s1;
	s3 =	sadd.s32 $0x2400, s1;
	s4 =	sshll.u32 s4, $0x4  }
0x7: {  	s1 =	stileid.u32;
	s5 =	sand.u32 $0x10, s4;
	s4 =	simm.s32 $0x1  }
0x8: {  	s7 =	simm.s32 $0x0;
	s5 =	sor.u32 s1, s5;
	[sflag:s4] =	ssyncpa.u1 $0x0  }
0x9: {  	[sflag:s6] =	ssyncpa.u1 $0x0;
	s6 =	simm.s32 $0x2000;
	s10 =	smov.u32 s5  }
.LBB1_5:
0xa: {  	s14 =	sadd.s32 $0x1, s8  }
0xb: {  	s11 =	sadd.s32 $0x80, s9;
	s15 =	smov.u32 s9;
	p2 =	sgt.s32 s14, $0x7  }
0xc: {  	s15 =	smov.u32 @p2 s11  }
0xd: {  	s17 =	smov.u32 s10;
	s11 =	sadd.s32 $0x20, s10;
	p3 =	sgt.s32 s15, $0x7F  }
0xe: {  	p1 =	slt.u32 s7, $0x2;
	s17 =	smov.u32 @p3 s11  }
0xf: {  	s7 =	sadd.s32 $0x1, s7;
	s14 =	simm.s32 @p2 $0x0;
	p2 =	sgt.s32 s17, $0x3F  }
0x10: {  	s17 =	smov.u32 @p2 s5;
	p2 =	sne.s32 s7, $0x12  }
.Ltmp1:
0x11: {  	s16 =	simm.s32 @!p1 $0x2;
	(pc) =	sbr.rel @!p2 .LBB1_6-.Ltmp1, $4  }
0x12: {  	s12 =	smov.u32 s8;
	_ =	swait.ge @!p1 [sflag:s16], $0x4000  }
0x13: {  	s13 =	smov.u32 s10;
	p0 =	por !p0, !p0;
	[sflag:s16] =	ssyncset.done @!p1 $0x0  }
0x14: {  	s8 =	smov.u32 s14;
	s15 =	simm.s32 @p3 $0x0;
	s11 =	smov.u32 s9  }
0x15: {  	[sflag:s16] =	ssyncadd.s32 @!p1 $0xFFFFC000;
	s9 =	smov.u32 s15;
	s10 =	smov.u32 s17  }
.LBB1_1:
0x16: {  	p1 =	sgt.u32 s7, $0xF  }
0x17: {  	s14 =	sxor.u32 @!p1 $0xFFFFFFFF, s7;
	s15 =	sshll.u32 @!p1 s10, $0xE;
	s16 =	sshll.u32 @!p1 s9, $0x7  }
0x18: {  	s17 =	sshll.u32 @!p1 s8, $0x4;
	s14 =	sshll.u32 @!p1 s14, $0xE;
	s15 =	sadd.s32 @!p1 s2, s15  }
0x19: {  	s17 =	sand.u32 @!p1 $0x70, s17;
	s14 =	sand.u32 @!p1 $0x4000, s14;
	s15 =	sadd.s32 @!p1 s16, s15  }
0x1a: {  	s16 =	simm.s32 @!p1 $0x80;
	s15 =	sadd.s32 @!p1 s17, s15;
	s17 =	simm.s32 @!p1 $0x400  }
0x1b: {  	[tilespmem:s14], [sflag:$0x1] =	stream.strided.gather @!p1 [hbm4b:s15+s16], $0x4000, s17, s16, $0x38;
	[tilespmem:$0x10100] =	vst v63  }
0x1c: {  	p1 =	seq.s32 s7, $0x0  }
0x1d: {  	p2 =	seq.s32 @!p1 s7, $0x11  }
0x1e: {  	p1 =	por p1, p2  }
.Ltmp2:
0x1f: {  	_ = 	snop;
	(pc) =	sbr.rel @p1 .LBB1_5-.Ltmp2, $1  }
0x20: {  	_ =	sdelay $0x3  }
0x21: {  	s14 =	simm.s32 $0x1  }
0x22: {  	_ =	swait.ge [sflag:s4], $0x4000;
	s14 =	simm.s32 @!p0 $0x0  }
0x23: {  	[sflag:s4] =	ssyncset.done $0x0;
	s15 =	sshll.u32 s14, $0xE  }
0x24: {  	[sflag:s4] =	ssyncadd.s32 $0xFFFFC000;
	s16 =	sor.u32 $0x40, s15  }
0x25: {  	s14 =	smul.u32 $0x10200, s14;
	v0 =	vld [tilespmem:s16+$0x30]  }
0x26: {  	v3 =	vld [tilespmem:s16+$0xFFFFFFD0]  }
0x27: {  	s14 =	sshrl.u32 s14, $0x2;
	v4 =	vld [tilespmem:s16+$0xFFFFFFE0]  }
0x28: {  	v5 =	vld [tilespmem:s16+$0xFFFFFFF0];
	s15 =	sor.u32 $0x8000, s14  }
0x29: {  	s31 =	sand.u32 $0x1, s7;
	v1 =	vld [tilespmem:s16+$0x0];
	s17 =	sadd.s32 $0x0, s15  }
0x2a: {  	v2 =	vld [tilespmem:s16+$0x10];
	s14 =	smul.u32 $0x10200, s31;
	[tilespmem:s17+$0x3870 ss:$0x81] =	vst.msk $0xffff, v0  }
0x2b: {  	[tilespmem:s17+$0x810 ss:$0x81] =	vst.msk $0xffff, v3;
	v3 =	vld [tilespmem:s16+$0x20]  }
0x2c: {  	s14 =	sshrl.u32 s14, $0x2;
	v0 =	vld [tilespmem:s16+$0xFFFFFFC0];
	[tilespmem:s17+$0x1020 ss:$0x81] =	vst.msk $0xffff, v4;
	s16 =	sadd.s32 $0x80, s16  }
0x2d: {  	s18 =	simm.s32 $0x4;
	s19 =	simm.s32 $0x8;
	s14 =	sor.u32 $0x8000, s14;
	[tilespmem:s17+$0x1830 ss:$0x81] =	vst.msk $0xffff, v5;
	v4 =	vld [tilespmem:s16+$0x30]  }
.LBB1_3:
0x2e: {  	p1 =	sne.s32 s19, $0x1FC;
	v5 =	vld [tilespmem:s16+$0xFFFFFFD0];
	[tilespmem:s17+$0x2040 ss:$0x81] =	vst.msk $0xffff, v1  }
0x2f: {  	v6 =	vld [tilespmem:s16+$0xFFFFFFE0];
	[tilespmem:s17+$0x2850 ss:$0x81] =	vst.msk $0xffff, v2  }
0x30: {  	s20 =	sshra.s32 s18, $0x2;
	s18 =	smov.u32 s19;
	v7 =	vld [tilespmem:s16+$0xFFFFFFF0];
	[tilespmem:s17+$0x3060 ss:$0x81] =	vst.msk $0xffff, v3  }
.Ltmp3:
0x31: {  	v1 =	vld [tilespmem:s16+$0x0];
	[tilespmem:s17+$0x0 ss:$0x81] =	vst.msk $0xffff, v0;
	s17 =	sadd.s32 s20, s15;
	(pc) =	sbr.rel @p1 .LBB1_3-.Ltmp3, $4  }
0x32: {  	v2 =	vld [tilespmem:s16+$0x10];
	[tilespmem:s17+$0x3870 ss:$0x81] =	vst.msk $0xffff, v4  }
0x33: {  	[tilespmem:s17+$0x810 ss:$0x81] =	vst.msk $0xffff, v5;
	v3 =	vld [tilespmem:s16+$0x20]  }
0x34: {  	v0 =	vld [tilespmem:s16+$0xFFFFFFC0];
	[tilespmem:s17+$0x1020 ss:$0x81] =	vst.msk $0xffff, v6;
	s16 =	sadd.s32 $0x80, s16  }
0x35: {  	s19 =	sadd.s32 $0x4, s19;
	v4 =	vld [tilespmem:s16+$0x30];
	[tilespmem:s17+$0x1830 ss:$0x81] =	vst.msk $0xffff, v7  }
0x36: {  	v5 =	vld [tilespmem:s16+$0xFFFFFFD0];
	[tilespmem:s17+$0x2040 ss:$0x81] =	vst.msk $0xffff, v1  }
0x37: {  	v58 =	vld [tilespmem:s16+$0xFFFFFFE0];
	[tilespmem:s17+$0x2850 ss:$0x81] =	vst.msk $0xffff, v2  }
0x38: {  	s18 =	sshra.s32 s18, $0x2;
	v59 =	vld [tilespmem:s16+$0xFFFFFFF0];
	[tilespmem:s17+$0x3060 ss:$0x81] =	vst.msk $0xffff, v3  }
0x39: {  	v60 =	vld [tilespmem:s16+$0x0];
	s15 =	sadd.s32 s18, s15;
	[tilespmem:s17+$0x0 ss:$0x81] =	vst.msk $0xffff, v0  }
0x3a: {  	v61 =	vld [tilespmem:s16+$0x10];
	[tilespmem:s15+$0x3870 ss:$0x81] =	vst.msk $0xffff, v4  }
0x3b: {  	s13 =	sshll.u32 s13, $0x7;
	s27 =	sshll.u32 s11, $0x3;
	v62 =	vld [tilespmem:s16+$0x20];
	[tilespmem:s15+$0x810 ss:$0x81] =	vst.msk $0xffff, v5  }
0x3c: {  	v63 =	vld [tilespmem:s16+$0xFFFFFFC0];
	s12 =	sshll.u32 s12, $0x11;
	s28 =	sand.u32 $0x1C00, s13;
	s17 =	sand.u32 $0x1C00, s27;
	[tilespmem:s15+$0x1020 ss:$0x81] =	vst.msk $0xffff, v58  }
0x3d: {  	s30 =	sshrl.u32 s11, $0x3;
	s13 =	sand.u32 $0x380, s13;
	s29 =	sadd.s32 s28, s17;
	[tilespmem:s15+$0x1830 ss:$0x81] =	vst.msk $0xffff, v59  }
.Ltmp4:
0x3e: {  	s31 =	sand.u32 $0x7, s11;
	s13 =	sor.u32 s13, s29;
	[tilespmem:s15+$0x2040 ss:$0x81] =	vst.msk $0xffff, v60;
	(pc) =	sbr.rel .LBB1_5-.Ltmp4, $4  }
0x3f: {  	s16 =	sand.u32 $0xF, s30;
	s12 =	sadd.s32 s3, s12;
	[tilespmem:s15+$0x2850 ss:$0x81] =	vst.msk $0xffff, v61;
	s13 =	sshrl.u32 s13, $0x3  }
0x40: {  	s11 =	sshll.u32 s31, $0x12;
	s12 =	sadd.s32 s16, s12;
	[tilespmem:s15+$0x3060 ss:$0x81] =	vst.msk $0xffff, v62;
	s13 =	sand.u32 $0x3F0, s13  }
0x41: {  	s11 =	sor.u32 $0x80, s11;
	[tilespmem:s15+$0x0 ss:$0x81] =	vst.msk $0xffff, v63;
	s12 =	sadd.s32 s13, s12  }
0x42: {  	[hbm4b:s12+s11] =	stream.strided.scatter [tilespmem:s14], [sflag:$0x2], $0x4000, s6, s11, $0x20;
	[tilespmem:$0x10100] =	vst v63  }
.LBB1_6:
0x43: {  	_ =	sfence.sel $0x180000  }
0x44: {  	s2 =	simm.s32 $0x1;
	[bflag:$0x0] =	sbarrier.arrive $0xFFFF  }
0x45: {  	s31 =	simm.s32 $0x2;
	[sflag:s2] =	ssyncpa.u1 $0x1  }
0x46: {  	[sflag:s31] =	ssyncpa.u1 $0x1  }
0x47: {  	p0 =	sne.s32 s1, $0x0;
	_ =	strace $0x9000004A  }
0x48: {  	s0 =	sadd.s32 @!p0 $0x100000, s0;
	[bflag:$0x2] =	sbarrier.arrive $0xFFFF  }
0x49: {  	[sflag:s0] =	ssyncadd.tile.s32 @!p0 $0x1;
	_ =	shalt  }
.Lfunc_end1:
_tile_overlayer_lowered:
.L_overlay_start_2:
0x4a: {  	(tag) =	ssettag $0x2  }
0x4b: {  	s0 =	rddreg [dreg:$0x0];
	s2 =	stileid.u32  }
0x4c: {  	s1 =	rddreg [dreg:$0x1];
	p0 =	sne.s32 s2, $0x0  }
0x4d: {  	s3 =	rddreg [dreg:$0x2];
	[bflag:$0x3] =	sbarrier.arrive $0xFFFF;
	s2 =	simm.s32 @!p0 $0x1C01  }
0x4e: {  	[timem:s3], [sflag:s2] =	dma.local @!p0 [hbm:s0], s1  }
0x4f: {  	s0 =	simm.s32 @!p0 $0x1  }
0x50: {  	_ =	swait.ge @!p0 [sflag:s0], s1  }
0x51: {  	s1 =	ssub.s32 @!p0 $0x0, s1;
	[sflag:s0] =	ssyncset.done @!p0 $0x0  }
0x52: {  	[sflag:s0] =	ssyncadd.s32 @!p0 s1  }
0x53: {  	[bflag:$0x3] =	sbarrier.arrive $0xFFFF  }
0x54: {  	_ =	shalt  }

// kernel: sparse-core-data-format-call.2.cloned.1.call-start
scs
called_computation.2_lowered:
.L_overlay_start_0:
0x0: {  	s2 =	sld [smem:$0x3FD9]  }
0x1: {  	s3 =	sld [smem:$0x3FFE];
	_ =	sdelay $0x1  }
0x2: {  	s1 =	srdreg.scid  }
0x3: {  	s0 =	sand.u32 $0x1, s1  }
0x4: {  	s18 =	sshll.u32 s0, $0xA;
	s2 =	sadd.s32 s3, s2  }
0x5: {  	s2 =	sadd.s32 s2, s18  }
0x6: {  	[smem:$0x3FC5] =	sst s2  }
0x7: {  	_ = 	snop  }
0x8: {  	(tm) =	ssettm $0x1  }
0x9: {  	s19 =	sld [smem:$0x3FFB];
	_ =	sdelay $0x3  }
0xa: {  	_ =	strace s19  }
0xb: {  	s2 =	sld [smem:$0x3FFC];
	_ =	sdelay $0x3  }
0xc: {  	_ =	strace s2  }
0xd: {  	s2 =	sld [smem:$0x3FFD];
	_ =	sdelay $0x3  }
0xe: {  	_ =	strace s2  }
0xf: {  	_ =	strace $0x8FFFFFFF  }
0x10: {  	s20 =	sld [smem:$0x3FDB];
	_ =	sdelay $0x1  }
0x11: {  	s21 =	simm.s32 $_scs_section_size  }
0x12: {  	s4 =	simm.s32 $_size__tile_overlayer_lowered;
	s5 =	simm.s32 $_tile_overlayer_lowered  }
0x13: {  	s6 =	simm.s32 $0x1BFF;
	s22 =	sshll.u32 s5, $0x1;
	s3 =	sadd.s32 s21, s20  }
0x14: {  	s23 =	simm.s32 $0x0;
	s4 =	sshll.u32 s4, $0x1;
	s5 =	sadd.s32 s22, s3  }
0x15: {  	[timem:s23], [sflag:s6] =	dma.local [hbm:s5], s4  }
0x16: {  	_ =	swait.ge [sflag:s6], s4  }
0x17: {  	s4 =	ssub.s32 $0x0, s4;
	[sflag:s6] =	ssyncset.done $0x0  }
0x18: {  	[sflag:s6] =	ssyncadd.s32 s4;
	_ =	sdelay $0x1  }
0x19: {  	s24 =	simm.s32 $0x1B8B  }
0x1a: {  	_ =	swait.ge [sflag:s24], $0x1  }
0x1b: {  	[sflag:s24] =	ssyncset.done $0x0  }
0x1c: {  	[sflag:s24] =	ssyncadd.s32 $0xFFFFFFFF  }
0x1d: {  	s4 =	sld [smem:$0x0]  }
0x1e: {  	s5 =	sand.u32 $0xFFFFFFFE, s1  }
0x1f: {  	p0 =	sne.s32 s1, s5  }
0x20: {  	s5 =	sshll.u32 @p0 s5, $0xE  }
0x21: {  	s5 =	sadd.s32 @p0 $0x11B8D, s5;
	s6 =	sshll.u32 @p0 s4, $0x11  }
0x22: {  	s5 =	sor.u32 @p0 s6, s5  }
0x23: {  	[sflag:s5] =	ssyncadd.remote.s32 @p0 $0x1;
	_ =	sdelay $0x1  }
0x24: {  	s5 =	simm.s32 @p0 $0x1B8D  }
0x25: {  	_ =	swait.eq @p0 [sflag:s5], $0x1  }
0x26: {  	[sflag:s5] =	ssyncadd.s32 @p0 $0xFFFFFFFF  }
0x27: {  	s6 =	sshll.u32 @!p0 s1, $0xE  }
0x28: {  	s6 =	sor.u32 @!p0 $0x4000, s6;
	s5 =	simm.s32 @!p0 $0x1B8D  }
0x29: {  	s4 =	sshll.u32 @!p0 s4, $0x11;
	s6 =	sadd.s32 @!p0 $0x11B8D, s6;
	_ =	swait.eq @!p0 [sflag:s5], $0x1  }
0x2a: {  	s4 =	sor.u32 @!p0 s4, s6;
	[sflag:s5] =	ssyncadd.s32 @!p0 $0xFFFFFFFF  }
0x2b: {  	s26 =	simm.s32 $0x1B8E;
	s25 =	sld [smem:$0x3FFE];
	[sflag:s4] =	ssyncadd.remote.s32 @!p0 $0x1  }
0x2c: {  	s27 =	simm.s32 $execute0_lowered;
	[smem:$0x3FD2] =	sst s26  }
0x2d: {  	s5 =	sshll.u32 s27, $0x1;
	_ =	strace $0x8000004C;
	[dreg:$0x1] =	wrdreg $0xFFFFFFFF  }
0x2e: {  	s28 =	simm.s32 $_size_execute0_lowered;
	s3 =	sadd.s32 s3, s5;
	[dreg:$0x0] =	wrdreg $0x0  }
0x2f: {  	s5 =	sshll.u32 s28, $0x1;
	[dreg:$0x2] =	wrdreg s3  }
0x30: {  	[dreg:$0x3] =	wrdreg s5  }
0x31: {  	[dreg:$0x4] =	wrdreg $0xC0  }
0x32: {  	_ =	task [dreg:s23], $0x5FFFF  }
0x33: {  	[dreg:$0x1] =	wrdreg $0xFFFFFFFF  }
0x34: {  	[dreg:$0x0] =	wrdreg $0x60  }
0x35: {  	[dreg:$0x2] =	wrdreg s25  }
0x36: {  	[dreg:$0x3] =	wrdreg $0xA  }
0x37: {  	_ =	task.clear_ibuf [dreg:s23], $0x4FFFF;
	_ =	strace $0x9000004C  }
0x38: {  	s29 =	simm.s32 $0xA;
	_ =	strace $0x8000004E  }
0x39: {  	_ =	swait.ge [sflag:s29], $0x1  }
0x3a: {  	[sflag:s29] =	ssyncadd.s32 $0xFFFFFFFF  }
0x3b: {  	_ =	strace $0x9000004E  }
0x3c: {  	_ =	sfence  }
0x3d: {  	s30 =	sld [smem:$0x0];
	_ =	sdelay $0x2  }
0x3e: {  	s31 =	sshll.u32 s1, $0xD;
	s1 =	sshrl.u32 s1, $0x2  }
0x3f: {  	s4 =	sand.u32 $0x4000, s31;
	s1 =	sadd.s32 s1, s30  }
0x40: {  	s0 =	sor.u32 s4, s0;
	s1 =	sshll.u32 s1, $0x11  }
0x41: {  	s0 =	sor.u32 s1, s0  }
0x42: {  	s0 =	sadd.s32 $0x8F2B, s0  }
0x43: {  	[sflag:s0] =	ssyncadd.remote.s32 $0x1  }
0x44: {  	_ =	sfence.sel $0xFFFF  }
0x45: {  	[dreg:$0x0] =	wrdreg $0xFFFFFFFF;
	(pc) =	sbr.abs _section_cstart, $3  }
0x46: {  	[dreg:$0x1] =	wrdreg $0xFFFFFFFF  }
0x47: {  	_ =	task.clear_ibuf [dreg:s23], $0x2FFFF;
	_ =	strace $0x9FFFFFFF  }
0x48: {  	(tm) =	ssettm $0x7FFFFFFF  }
0x49: {  	_ =	shalt  }
tec
execute0_lowered:
.L_overlay_start_1:
0x0: {  	(tag) =	ssettag $0x1  }
0x1: {  	s1 =	rddreg [dreg:$0x0]  }
0x2: {  	s0 =	rddreg [dreg:$0x1];
	_ =	strace $0x8000004D  }
0x3: {  	s4 =	srdreg.scid;
	s6 =	simm.s32 $0x2;
	s12 =	simm.s32 $0x0  }
0x4: {  	p0 =	por $0x0, $0x0;
	s11 =	simm.s32 $0x0;
	s13 =	simm.s32 $0x0  }
.Ltmp0:
0x5: {  	s8 =	simm.s32 $0x0;
	s9 =	simm.s32 $0x0;
	(pc) =	sbr.rel .LBB1_1-.Ltmp0, $4  }
0x6: {  	s2 =	sadd.s32 $0x202400, s1;
	s3 =	sadd.s32 $0x302400, s1;
	s4 =	sshll.u32 s4, $0x4  }
0x7: {  	s1 =	stileid.u32;
	s5 =	sand.u32 $0x10, s4;
	s4 =	simm.s32 $0x1  }
0x8: {  	s7 =	simm.s32 $0x0;
	s5 =	sor.u32 s1, s5;
	[sflag:s4] =	ssyncpa.u1 $0x0  }
0x9: {  	[sflag:s6] =	ssyncpa.u1 $0x0;
	s6 =	simm.s32 $0x2000;
	s10 =	smov.u32 s5  }
.LBB1_5:
0xa: {  	s14 =	sadd.s32 $0x1, s8  }
0xb: {  	s11 =	sadd.s32 $0x80, s9;
	s15 =	smov.u32 s9;
	p2 =	sgt.s32 s14, $0x7  }
0xc: {  	s15 =	smov.u32 @p2 s11  }
0xd: {  	s17 =	smov.u32 s10;
	s11 =	sadd.s32 $0x20, s10;
	p3 =	sgt.s32 s15, $0x7F  }
0xe: {  	p1 =	slt.u32 s7, $0x2;
	s17 =	smov.u32 @p3 s11  }
0xf: {  	s7 =	sadd.s32 $0x1, s7;
	s14 =	simm.s32 @p2 $0x0;
	p2 =	sgt.s32 s17, $0x3F  }
0x10: {  	s17 =	smov.u32 @p2 s5;
	p2 =	sne.s32 s7, $0x12  }
.Ltmp1:
0x11: {  	s16 =	simm.s32 @!p1 $0x2;
	(pc) =	sbr.rel @!p2 .LBB1_6-.Ltmp1, $4  }
0x12: {  	s12 =	smov.u32 s8;
	_ =	swait.ge @!p1 [sflag:s16], $0x4000  }
0x13: {  	s13 =	smov.u32 s10;
	p0 =	por !p0, !p0;
	[sflag:s16] =	ssyncset.done @!p1 $0x0  }
0x14: {  	s8 =	smov.u32 s14;
	s15 =	simm.s32 @p3 $0x0;
	s11 =	smov.u32 s9  }
0x15: {  	[sflag:s16] =	ssyncadd.s32 @!p1 $0xFFFFC000;
	s9 =	smov.u32 s15;
	s10 =	smov.u32 s17  }
.LBB1_1:
0x16: {  	p1 =	sgt.u32 s7, $0xF  }
0x17: {  	s14 =	sxor.u32 @!p1 $0xFFFFFFFF, s7;
	s15 =	sshll.u32 @!p1 s10, $0xE;
	s16 =	sshll.u32 @!p1 s9, $0x7  }
0x18: {  	s17 =	sshll.u32 @!p1 s8, $0x4;
	s14 =	sshll.u32 @!p1 s14, $0xE;
	s15 =	sadd.s32 @!p1 s2, s15  }
0x19: {  	s17 =	sand.u32 @!p1 $0x70, s17;
	s14 =	sand.u32 @!p1 $0x4000, s14;
	s15 =	sadd.s32 @!p1 s16, s15  }
0x1a: {  	s16 =	simm.s32 @!p1 $0x80;
	s15 =	sadd.s32 @!p1 s17, s15;
	s17 =	simm.s32 @!p1 $0x400  }
0x1b: {  	[tilespmem:s14], [sflag:$0x1] =	stream.strided.gather @!p1 [hbm4b:s15+s16], $0x4000, s17, s16, $0x38;
	[tilespmem:$0x10100] =	vst v63  }
0x1c: {  	p1 =	seq.s32 s7, $0x0  }
0x1d: {  	p2 =	seq.s32 @!p1 s7, $0x11  }
0x1e: {  	p1 =	por p1, p2  }
.Ltmp2:
0x1f: {  	_ = 	snop;
	(pc) =	sbr.rel @p1 .LBB1_5-.Ltmp2, $1  }
0x20: {  	_ =	sdelay $0x3  }
0x21: {  	s14 =	simm.s32 $0x1  }
0x22: {  	_ =	swait.ge [sflag:s4], $0x4000;
	s14 =	simm.s32 @!p0 $0x0  }
0x23: {  	[sflag:s4] =	ssyncset.done $0x0;
	s15 =	sshll.u32 s14, $0xE  }
0x24: {  	[sflag:s4] =	ssyncadd.s32 $0xFFFFC000;
	s16 =	sor.u32 $0x40, s15  }
0x25: {  	s14 =	smul.u32 $0x10200, s14;
	v0 =	vld [tilespmem:s16+$0x30]  }
0x26: {  	v3 =	vld [tilespmem:s16+$0xFFFFFFD0]  }
0x27: {  	s14 =	sshrl.u32 s14, $0x2;
	v4 =	vld [tilespmem:s16+$0xFFFFFFE0]  }
0x28: {  	v5 =	vld [tilespmem:s16+$0xFFFFFFF0];
	s15 =	sor.u32 $0x8000, s14  }
0x29: {  	s31 =	sand.u32 $0x1, s7;
	v1 =	vld [tilespmem:s16+$0x0];
	s17 =	sadd.s32 $0x0, s15  }
0x2a: {  	v2 =	vld [tilespmem:s16+$0x10];
	s14 =	smul.u32 $0x10200, s31;
	[tilespmem:s17+$0x3870 ss:$0x81] =	vst.msk $0xffff, v0  }
0x2b: {  	[tilespmem:s17+$0x810 ss:$0x81] =	vst.msk $0xffff, v3;
	v3 =	vld [tilespmem:s16+$0x20]  }
0x2c: {  	s14 =	sshrl.u32 s14, $0x2;
	v0 =	vld [tilespmem:s16+$0xFFFFFFC0];
	[tilespmem:s17+$0x1020 ss:$0x81] =	vst.msk $0xffff, v4;
	s16 =	sadd.s32 $0x80, s16  }
0x2d: {  	s18 =	simm.s32 $0x4;
	s19 =	simm.s32 $0x8;
	s14 =	sor.u32 $0x8000, s14;
	[tilespmem:s17+$0x1830 ss:$0x81] =	vst.msk $0xffff, v5;
	v4 =	vld [tilespmem:s16+$0x30]  }
.LBB1_3:
0x2e: {  	p1 =	sne.s32 s19, $0x1FC;
	v5 =	vld [tilespmem:s16+$0xFFFFFFD0];
	[tilespmem:s17+$0x2040 ss:$0x81] =	vst.msk $0xffff, v1  }
0x2f: {  	v6 =	vld [tilespmem:s16+$0xFFFFFFE0];
	[tilespmem:s17+$0x2850 ss:$0x81] =	vst.msk $0xffff, v2  }
0x30: {  	s20 =	sshra.s32 s18, $0x2;
	s18 =	smov.u32 s19;
	v7 =	vld [tilespmem:s16+$0xFFFFFFF0];
	[tilespmem:s17+$0x3060 ss:$0x81] =	vst.msk $0xffff, v3  }
.Ltmp3:
0x31: {  	v1 =	vld [tilespmem:s16+$0x0];
	[tilespmem:s17+$0x0 ss:$0x81] =	vst.msk $0xffff, v0;
	s17 =	sadd.s32 s20, s15;
	(pc) =	sbr.rel @p1 .LBB1_3-.Ltmp3, $4  }
0x32: {  	v2 =	vld [tilespmem:s16+$0x10];
	[tilespmem:s17+$0x3870 ss:$0x81] =	vst.msk $0xffff, v4  }
0x33: {  	[tilespmem:s17+$0x810 ss:$0x81] =	vst.msk $0xffff, v5;
	v3 =	vld [tilespmem:s16+$0x20]  }
0x34: {  	v0 =	vld [tilespmem:s16+$0xFFFFFFC0];
	[tilespmem:s17+$0x1020 ss:$0x81] =	vst.msk $0xffff, v6;
	s16 =	sadd.s32 $0x80, s16  }
0x35: {  	s19 =	sadd.s32 $0x4, s19;
	v4 =	vld [tilespmem:s16+$0x30];
	[tilespmem:s17+$0x1830 ss:$0x81] =	vst.msk $0xffff, v7  }
0x36: {  	v5 =	vld [tilespmem:s16+$0xFFFFFFD0];
	[tilespmem:s17+$0x2040 ss:$0x81] =	vst.msk $0xffff, v1  }
0x37: {  	v58 =	vld [tilespmem:s16+$0xFFFFFFE0];
	[tilespmem:s17+$0x2850 ss:$0x81] =	vst.msk $0xffff, v2  }
0x38: {  	s18 =	sshra.s32 s18, $0x2;
	v59 =	vld [tilespmem:s16+$0xFFFFFFF0];
	[tilespmem:s17+$0x3060 ss:$0x81] =	vst.msk $0xffff, v3  }
0x39: {  	v60 =	vld [tilespmem:s16+$0x0];
	s15 =	sadd.s32 s18, s15;
	[tilespmem:s17+$0x0 ss:$0x81] =	vst.msk $0xffff, v0  }
0x3a: {  	v61 =	vld [tilespmem:s16+$0x10];
	[tilespmem:s15+$0x3870 ss:$0x81] =	vst.msk $0xffff, v4  }
0x3b: {  	s13 =	sshll.u32 s13, $0x7;
	s27 =	sshll.u32 s11, $0x3;
	v62 =	vld [tilespmem:s16+$0x20];
	[tilespmem:s15+$0x810 ss:$0x81] =	vst.msk $0xffff, v5  }
0x3c: {  	v63 =	vld [tilespmem:s16+$0xFFFFFFC0];
	s12 =	sshll.u32 s12, $0x11;
	s28 =	sand.u32 $0x1C00, s13;
	s17 =	sand.u32 $0x1C00, s27;
	[tilespmem:s15+$0x1020 ss:$0x81] =	vst.msk $0xffff, v58  }
0x3d: {  	s30 =	sshrl.u32 s11, $0x3;
	s13 =	sand.u32 $0x380, s13;
	s29 =	sadd.s32 s28, s17;
	[tilespmem:s15+$0x1830 ss:$0x81] =	vst.msk $0xffff, v59  }
.Ltmp4:
0x3e: {  	s31 =	sand.u32 $0x7, s11;
	s13 =	sor.u32 s13, s29;
	[tilespmem:s15+$0x2040 ss:$0x81] =	vst.msk $0xffff, v60;
	(pc) =	sbr.rel .LBB1_5-.Ltmp4, $4  }
0x3f: {  	s16 =	sand.u32 $0xF, s30;
	s12 =	sadd.s32 s3, s12;
	[tilespmem:s15+$0x2850 ss:$0x81] =	vst.msk $0xffff, v61;
	s13 =	sshrl.u32 s13, $0x3  }
0x40: {  	s11 =	sshll.u32 s31, $0x12;
	s12 =	sadd.s32 s16, s12;
	[tilespmem:s15+$0x3060 ss:$0x81] =	vst.msk $0xffff, v62;
	s13 =	sand.u32 $0x3F0, s13  }
0x41: {  	s11 =	sor.u32 $0x80, s11;
	[tilespmem:s15+$0x0 ss:$0x81] =	vst.msk $0xffff, v63;
	s12 =	sadd.s32 s13, s12  }
0x42: {  	[hbm4b:s12+s11] =	stream.strided.scatter [tilespmem:s14], [sflag:$0x2], $0x4000, s6, s11, $0x20;
	[tilespmem:$0x10100] =	vst v63  }
.LBB1_6:
0x43: {  	_ =	sfence.sel $0x180000  }
0x44: {  	s2 =	simm.s32 $0x1;
	[bflag:$0x0] =	sbarrier.arrive $0xFFFF  }
0x45: {  	s31 =	simm.s32 $0x2;
	[sflag:s2] =	ssyncpa.u1 $0x1  }
0x46: {  	[sflag:s31] =	ssyncpa.u1 $0x1  }
0x47: {  	p0 =	sne.s32 s1, $0x0;
	_ =	strace $0x9000004D  }
0x48: {  	s0 =	sadd.s32 @!p0 $0x100000, s0;
	[bflag:$0x2] =	sbarrier.arrive $0xFFFF  }
0x49: {  	[sflag:s0] =	ssyncadd.tile.s32 @!p0 $0x1;
	_ =	shalt  }
.Lfunc_end1:
_tile_overlayer_lowered:
.L_overlay_start_2:
0x4a: {  	(tag) =	ssettag $0x2  }
0x4b: {  	s0 =	rddreg [dreg:$0x0];
	s2 =	stileid.u32  }
0x4c: {  	s1 =	rddreg [dreg:$0x1];
	p0 =	sne.s32 s2, $0x0  }
0x4d: {  	s3 =	rddreg [dreg:$0x2];
	[bflag:$0x3] =	sbarrier.arrive $0xFFFF;
	s2 =	simm.s32 @!p0 $0x1C01  }
0x4e: {  	[timem:s3], [sflag:s2] =	dma.local @!p0 [hbm:s0], s1  }
0x4f: {  	s0 =	simm.s32 @!p0 $0x1  }
0x50: {  	_ =	swait.ge @!p0 [sflag:s0], s1  }
0x51: {  	s1 =	ssub.s32 @!p0 $0x0, s1;
	[sflag:s0] =	ssyncset.done @!p0 $0x0  }
0x52: {  	[sflag:s0] =	ssyncadd.s32 @!p0 s1  }
0x53: {  	[bflag:$0x3] =	sbarrier.arrive $0xFFFF  }
0x54: {  	_ =	shalt  }

// kernel: sparse-core-data-format-call.3.cloned.1.call-start
scs
called_computation.3_lowered:
.L_overlay_start_0:
0x0: {  	s1 =	sld [smem:$0x3FD9]  }
0x1: {  	s2 =	sld [smem:$0x3FFE];
	_ =	sdelay $0x1  }
0x2: {  	s3 =	srdreg.scid  }
0x3: {  	s0 =	sand.u32 $0x1, s3  }
0x4: {  	s17 =	sshll.u32 s0, $0xA;
	s1 =	sadd.s32 s2, s1  }
0x5: {  	s1 =	sadd.s32 s1, s17  }
0x6: {  	[smem:$0x3FC5] =	sst s1  }
0x7: {  	_ = 	snop  }
0x8: {  	(tm) =	ssettm $0x1  }
0x9: {  	s18 =	sld [smem:$0x3FFB];
	_ =	sdelay $0x3  }
0xa: {  	_ =	strace s18  }
0xb: {  	s1 =	sld [smem:$0x3FFC];
	_ =	sdelay $0x3  }
0xc: {  	_ =	strace s1  }
0xd: {  	s1 =	sld [smem:$0x3FFD];
	_ =	sdelay $0x3  }
0xe: {  	_ =	strace s1  }
0xf: {  	_ =	strace $0x8FFFFFFF  }
0x10: {  	s19 =	sld [smem:$0x3FDB];
	_ =	sdelay $0x1  }
0x11: {  	s20 =	simm.s32 $_scs_section_size  }
0x12: {  	s4 =	simm.s32 $_size__tile_overlayer_lowered;
	s5 =	simm.s32 $_tile_overlayer_lowered  }
0x13: {  	s23 =	simm.s32 $0x1BFF;
	s22 =	sshll.u32 s5, $0x1;
	s1 =	sadd.s32 s20, s19  }
0x14: {  	s6 =	simm.s32 $0x0;
	s21 =	sshll.u32 s4, $0x1;
	s4 =	sadd.s32 s22, s1  }
0x15: {  	[timem:s6], [sflag:s23] =	dma.local [hbm:s4], s21  }
0x16: {  	_ =	swait.ge [sflag:s23], s21  }
0x17: {  	s2 =	ssub.s32 $0x0, s21;
	[sflag:s23] =	ssyncset.done $0x0  }
0x18: {  	[sflag:s23] =	ssyncadd.s32 s2;
	_ =	sdelay $0x1  }
0x19: {  	s24 =	simm.s32 $0x1B8B  }
0x1a: {  	_ =	swait.ge [sflag:s24], $0x1  }
0x1b: {  	[sflag:s24] =	ssyncset.done $0x0  }
0x1c: {  	s26 =	simm.s32 $0x1B8E;
	s25 =	sld [smem:$0x3FFE];
	[sflag:s24] =	ssyncadd.s32 $0xFFFFFFFF  }
0x1d: {  	s27 =	simm.s32 $execute0_lowered;
	[smem:$0x3FD2] =	sst s26  }
0x1e: {  	s4 =	sshll.u32 s27, $0x1;
	_ =	strace $0x80000046;
	[dreg:$0x1] =	wrdreg $0xFFFFFFFF  }
0x1f: {  	s28 =	simm.s32 $_size_execute0_lowered;
	s1 =	sadd.s32 s1, s4;
	[dreg:$0x0] =	wrdreg $0x0  }
0x20: {  	s4 =	sshll.u32 s28, $0x1;
	[dreg:$0x2] =	wrdreg s1  }
0x21: {  	[dreg:$0x3] =	wrdreg s4  }
0x22: {  	[dreg:$0x4] =	wrdreg $0xC0  }
0x23: {  	_ =	task [dreg:s6], $0x5FFFF  }
0x24: {  	[dreg:$0x1] =	wrdreg $0xFFFFFFFF  }
0x25: {  	[dreg:$0x0] =	wrdreg $0x60  }
0x26: {  	[dreg:$0x2] =	wrdreg s25  }
0x27: {  	[dreg:$0x3] =	wrdreg $0x9  }
0x28: {  	_ =	task.clear_ibuf [dreg:s6], $0x4FFFF;
	_ =	strace $0x90000046  }
0x29: {  	s29 =	simm.s32 $0x9;
	_ =	strace $0x80000048  }
0x2a: {  	_ =	swait.ge [sflag:s29], $0x1  }
0x2b: {  	[sflag:s29] =	ssyncadd.s32 $0xFFFFFFFF  }
0x2c: {  	_ =	strace $0x90000048  }
0x2d: {  	_ =	sfence  }
0x2e: {  	s30 =	sld [smem:$0x0];
	_ =	sdelay $0x2  }
0x2f: {  	s31 =	sshll.u32 s3, $0xD;
	s3 =	sshrl.u32 s3, $0x2  }
0x30: {  	s2 =	sand.u32 $0x4000, s31;
	s1 =	sadd.s32 s3, s30  }
0x31: {  	s0 =	sor.u32 s2, s0;
	s1 =	sshll.u32 s1, $0x11  }
0x32: {  	s0 =	sor.u32 s1, s0  }
0x33: {  	s0 =	sadd.s32 $0x8F2B, s0  }
0x34: {  	[sflag:s0] =	ssyncadd.remote.s32 $0x1  }
0x35: {  	_ =	sfence.sel $0xFFFF  }
0x36: {  	[dreg:$0x0] =	wrdreg $0xFFFFFFFF;
	(pc) =	sbr.abs _section_cstart, $3  }
0x37: {  	[dreg:$0x1] =	wrdreg $0xFFFFFFFF  }
0x38: {  	_ =	task.clear_ibuf [dreg:s6], $0x2FFFF;
	_ =	strace $0x9FFFFFFF  }
0x39: {  	(tm) =	ssettm $0x7FFFFFFF  }
tec
execute0_lowered:
.L_overlay_start_1:
0x0: {  	(tag) =	ssettag $0x1  }
0x1: {  	s1 =	rddreg [dreg:$0x0]  }
0x2: {  	s0 =	rddreg [dreg:$0x1];
	_ =	strace $0x80000047;
	s4 =	srdreg.scid  }
0x3: {  	s7 =	simm.s32 $0x2;
	s11 =	simm.s32 $0x0;
	p0 =	por $0x0, $0x0  }
0x4: {  	s13 =	simm.s32 $0x0;
	s12 =	simm.s32 $0x0;
	s2 =	sadd.s32 $0x102400, s1  }
.Ltmp0:
0x5: {  	s3 =	sadd.s32 $0x2400, s1;
	s4 =	sshll.u32 s4, $0x4;
	(pc) =	sbr.rel .LBB1_1-.Ltmp0, $4  }
0x6: {  	s1 =	stileid.u32;
	s5 =	sand.u32 $0x10, s4;
	s4 =	simm.s32 $0x1  }
0x7: {  	s10 =	simm.s32 $0x0;
	s6 =	sor.u32 s1, s5;
	[sflag:s4] =	ssyncpa.u1 $0x0  }
0x8: {  	s5 =	sand.u32 $0x7, s1;
	s6 =	sshrl.u32 s6, $0x3;
	[sflag:s7] =	ssyncpa.u1 $0x0  }
0x9: {  	s9 =	smov.u32 s5;
	s7 =	simm.s32 $0x0;
	s8 =	smov.u32 s6  }
.LBB1_5:
0xa: {  	s14 =	sadd.s32 $0x4, s8  }
0xb: {  	s11 =	sadd.s32 $0x8, s9;
	s15 =	smov.u32 s9;
	p2 =	sgt.s32 s14, $0x3F  }
0xc: {  	s15 =	smov.u32 @p2 s11  }
0xd: {  	s17 =	smov.u32 s10;
	s11 =	sadd.s32 $0x80, s10;
	p3 =	sgt.s32 s15, $0x7  }
0xe: {  	p1 =	slt.u32 s7, $0x2;
	s17 =	smov.u32 @p3 s11  }
0xf: {  	s7 =	sadd.s32 $0x1, s7;
	s14 =	smov.u32 @p2 s6;
	p2 =	sgt.s32 s17, $0x7F  }
0x10: {  	s17 =	simm.s32 @p2 $0x0;
	p2 =	sne.s32 s7, $0x12  }
.Ltmp1:
0x11: {  	s16 =	simm.s32 @!p1 $0x2;
	(pc) =	sbr.rel @!p2 .LBB1_6-.Ltmp1, $4  }
0x12: {  	s13 =	smov.u32 s9;
	_ =	swait.ge @!p1 [sflag:s16], $0x4000  }
0x13: {  	s12 =	smov.u32 s10;
	p0 =	por !p0, !p0;
	[sflag:s16] =	ssyncset.done @!p1 $0x0  }
0x14: {  	s15 =	smov.u32 @p3 s5;
	s11 =	smov.u32 s8;
	[sflag:s16] =	ssyncadd.s32 @!p1 $0xFFFFC000  }
0x15: {  	s8 =	smov.u32 s14;
	s9 =	smov.u32 s15;
	s10 =	smov.u32 s17  }
.LBB1_1:
0x16: {  	p1 =	sgt.u32 s7, $0xF  }
0x17: {  	s14 =	sxor.u32 @!p1 $0xFFFFFFFF, s7;
	s15 =	sshll.u32 @!p1 s10, $0xD;
	s16 =	sshll.u32 @!p1 s9, $0xA  }
0x18: {  	s17 =	sshll.u32 @!p1 s8, $0x4;
	s14 =	sshll.u32 @!p1 s14, $0xE;
	s15 =	sadd.s32 @!p1 s2, s15  }
0x19: {  	s17 =	sand.u32 @!p1 $0x3F0, s17;
	s14 =	sand.u32 @!p1 $0x4000, s14;
	s15 =	sadd.s32 @!p1 s16, s15  }
0x1a: {  	s16 =	simm.s32 @!p1 $0x80;
	s15 =	sadd.s32 @!p1 s17, s15;
	s17 =	simm.s32 @!p1 $0x10000  }
0x1b: {  	[tilespmem:s14], [sflag:$0x1] =	stream.strided.gather @!p1 [hbm4b:s15+s16], $0x4000, s17, s16, $0x38;
	[tilespmem:$0x10100] =	vst v63  }
0x1c: {  	p1 =	seq.s32 s7, $0x0  }
0x1d: {  	p2 =	seq.s32 @!p1 s7, $0x11  }
0x1e: {  	p1 =	por p1, p2  }
.Ltmp2:
0x1f: {  	_ = 	snop;
	(pc) =	sbr.rel @p1 .LBB1_5-.Ltmp2, $1  }
0x20: {  	_ =	sdelay $0x3  }
0x21: {  	s14 =	simm.s32 $0x1  }
0x22: {  	_ =	swait.ge [sflag:s4], $0x4000;
	s14 =	simm.s32 @!p0 $0x0  }
0x23: {  	[sflag:s4] =	ssyncset.done $0x0;
	s15 =	sshll.u32 s14, $0xE  }
0x24: {  	[sflag:s4] =	ssyncadd.s32 $0xFFFFC000;
	s17 =	sor.u32 $0x40, s15  }
0x25: {  	s14 =	smul.u32 $0x10200, s14;
	v0 =	vld [tilespmem:s17+$0x30]  }
0x26: {  	v3 =	vld [tilespmem:s17+$0xFFFFFFD0]  }
0x27: {  	s14 =	sshrl.u32 s14, $0x2;
	v4 =	vld [tilespmem:s17+$0xFFFFFFE0]  }
0x28: {  	v5 =	vld [tilespmem:s17+$0xFFFFFFF0];
	s15 =	sor.u32 $0x8000, s14  }
0x29: {  	s31 =	sand.u32 $0x1, s7;
	v1 =	vld [tilespmem:s17+$0x0];
	s16 =	sadd.s32 $0x0, s15  }
0x2a: {  	v2 =	vld [tilespmem:s17+$0x10];
	s14 =	smul.u32 $0x10200, s31;
	[tilespmem:s16+$0x3870 ss:$0x81] =	vst.msk $0xffff, v0  }
0x2b: {  	[tilespmem:s16+$0x810 ss:$0x81] =	vst.msk $0xffff, v3;
	v3 =	vld [tilespmem:s17+$0x20]  }
0x2c: {  	s14 =	sshrl.u32 s14, $0x2;
	v0 =	vld [tilespmem:s17+$0xFFFFFFC0];
	[tilespmem:s16+$0x1020 ss:$0x81] =	vst.msk $0xffff, v4;
	s17 =	sadd.s32 $0x80, s17  }
0x2d: {  	s18 =	simm.s32 $0x4;
	s19 =	simm.s32 $0x8;
	s14 =	sor.u32 $0x8000, s14;
	[tilespmem:s16+$0x1830 ss:$0x81] =	vst.msk $0xffff, v5;
	v4 =	vld [tilespmem:s17+$0x30]  }
.LBB1_3:
0x2e: {  	p1 =	sne.s32 s19, $0x1FC;
	v5 =	vld [tilespmem:s17+$0xFFFFFFD0];
	[tilespmem:s16+$0x2040 ss:$0x81] =	vst.msk $0xffff, v1  }
0x2f: {  	v6 =	vld [tilespmem:s17+$0xFFFFFFE0];
	[tilespmem:s16+$0x2850 ss:$0x81] =	vst.msk $0xffff, v2  }
0x30: {  	s20 =	sshra.s32 s18, $0x2;
	s18 =	smov.u32 s19;
	v7 =	vld [tilespmem:s17+$0xFFFFFFF0];
	[tilespmem:s16+$0x3060 ss:$0x81] =	vst.msk $0xffff, v3  }
.Ltmp3:
0x31: {  	v1 =	vld [tilespmem:s17+$0x0];
	[tilespmem:s16+$0x0 ss:$0x81] =	vst.msk $0xffff, v0;
	s16 =	sadd.s32 s20, s15;
	(pc) =	sbr.rel @p1 .LBB1_3-.Ltmp3, $4  }
0x32: {  	v2 =	vld [tilespmem:s17+$0x10];
	[tilespmem:s16+$0x3870 ss:$0x81] =	vst.msk $0xffff, v4  }
0x33: {  	[tilespmem:s16+$0x810 ss:$0x81] =	vst.msk $0xffff, v5;
	v3 =	vld [tilespmem:s17+$0x20]  }
0x34: {  	v0 =	vld [tilespmem:s17+$0xFFFFFFC0];
	[tilespmem:s16+$0x1020 ss:$0x81] =	vst.msk $0xffff, v6;
	s17 =	sadd.s32 $0x80, s17  }
0x35: {  	s19 =	sadd.s32 $0x4, s19;
	v4 =	vld [tilespmem:s17+$0x30];
	[tilespmem:s16+$0x1830 ss:$0x81] =	vst.msk $0xffff, v7  }
0x36: {  	v5 =	vld [tilespmem:s17+$0xFFFFFFD0];
	[tilespmem:s16+$0x2040 ss:$0x81] =	vst.msk $0xffff, v1  }
0x37: {  	v58 =	vld [tilespmem:s17+$0xFFFFFFE0];
	[tilespmem:s16+$0x2850 ss:$0x81] =	vst.msk $0xffff, v2  }
0x38: {  	s18 =	sshra.s32 s18, $0x2;
	v59 =	vld [tilespmem:s17+$0xFFFFFFF0];
	[tilespmem:s16+$0x3060 ss:$0x81] =	vst.msk $0xffff, v3  }
0x39: {  	v60 =	vld [tilespmem:s17+$0x0];
	s15 =	sadd.s32 s18, s15;
	[tilespmem:s16+$0x0 ss:$0x81] =	vst.msk $0xffff, v0  }
0x3a: {  	v61 =	vld [tilespmem:s17+$0x10];
	[tilespmem:s15+$0x3870 ss:$0x81] =	vst.msk $0xffff, v4  }
0x3b: {  	v62 =	vld [tilespmem:s17+$0x20];
	[tilespmem:s15+$0x810 ss:$0x81] =	vst.msk $0xffff, v5  }
0x3c: {  	v63 =	vld [tilespmem:s17+$0xFFFFFFC0];
	[tilespmem:s15+$0x1020 ss:$0x81] =	vst.msk $0xffff, v58  }
0x3d: {  	s29 =	sand.u32 $0x780, s12;
	s13 =	sshll.u32 s13, $0xB;
	[tilespmem:s15+$0x1830 ss:$0x81] =	vst.msk $0xffff, v59  }
.Ltmp4:
0x3e: {  	s30 =	sshrl.u32 s12, $0x3;
	s16 =	sadd.s32 s3, s29;
	[tilespmem:s15+$0x2040 ss:$0x81] =	vst.msk $0xffff, v60;
	(pc) =	sbr.rel .LBB1_5-.Ltmp4, $4  }
0x3f: {  	s17 =	sand.u32 $0xF, s30;
	s13 =	sadd.s32 s13, s16;
	[tilespmem:s15+$0x2850 ss:$0x81] =	vst.msk $0xffff, v61  }
0x40: {  	s11 =	sshll.u32 s11, $0xE;
	[tilespmem:s15+$0x3060 ss:$0x81] =	vst.msk $0xffff, v62;
	s13 =	sadd.s32 s17, s13  }
0x41: {  	s31 =	sand.u32 $0x7, s12;
	[tilespmem:s15+$0x0 ss:$0x81] =	vst.msk $0xffff, v63;
	s11 =	sadd.s32 s11, s13  }
0x42: {  	[hbm4b:s11+s31] =	stream.linear.scatter [tilespmem:s14], [sflag:$0x2], $0x4000, $0x20;
	[tilespmem:$0x10100] =	vst v63  }
.LBB1_6:
0x43: {  	_ =	sfence.sel $0x180000  }
0x44: {  	s2 =	simm.s32 $0x1;
	[bflag:$0x0] =	sbarrier.arrive $0xFFFF  }
0x45: {  	s31 =	simm.s32 $0x2;
	[sflag:s2] =	ssyncpa.u1 $0x1  }
0x46: {  	[sflag:s31] =	ssyncpa.u1 $0x1  }
0x47: {  	p0 =	sne.s32 s1, $0x0;
	_ =	strace $0x90000047  }
0x48: {  	s0 =	sadd.s32 @!p0 $0x100000, s0;
	[bflag:$0x2] =	sbarrier.arrive $0xFFFF  }
0x49: {  	[sflag:s0] =	ssyncadd.tile.s32 @!p0 $0x1;
	_ =	shalt  }
.Lfunc_end1:
_tile_overlayer_lowered:
.L_overlay_start_2:
0x4a: {  	(tag) =	ssettag $0x2  }
0x4b: {  	s0 =	rddreg [dreg:$0x0];
	s2 =	stileid.u32  }
0x4c: {  	s1 =	rddreg [dreg:$0x1];
	p0 =	sne.s32 s2, $0x0  }
0x4d: {  	s3 =	rddreg [dreg:$0x2];
	[bflag:$0x3] =	sbarrier.arrive $0xFFFF;
	s2 =	simm.s32 @!p0 $0x1C01  }
0x4e: {  	[timem:s3], [sflag:s2] =	dma.local @!p0 [hbm:s0], s1  }
0x4f: {  	s0 =	simm.s32 @!p0 $0x1  }
0x50: {  	_ =	swait.ge @!p0 [sflag:s0], s1  }
0x51: {  	s1 =	ssub.s32 @!p0 $0x0, s1;
	[sflag:s0] =	ssyncset.done @!p0 $0x0  }
0x52: {  	[sflag:s0] =	ssyncadd.s32 @!p0 s1  }
0x53: {  	[bflag:$0x3] =	sbarrier.arrive $0xFFFF  }
0x54: {  	_ =	shalt  }

// kernel: sparse-core-data-format-call.cloned.1.call-start
scs
called_computation_lowered:
.L_overlay_start_0:
0x0: {  	s1 =	sld [smem:$0x3FD9]  }
0x1: {  	s2 =	sld [smem:$0x3FFE];
	_ =	sdelay $0x1  }
0x2: {  	s3 =	srdreg.scid  }
0x3: {  	s0 =	sand.u32 $0x1, s3  }
0x4: {  	s17 =	sshll.u32 s0, $0xA;
	s1 =	sadd.s32 s2, s1  }
0x5: {  	s1 =	sadd.s32 s1, s17  }
0x6: {  	[smem:$0x3FC5] =	sst s1  }
0x7: {  	_ = 	snop  }
0x8: {  	(tm) =	ssettm $0x1  }
0x9: {  	s18 =	sld [smem:$0x3FFB];
	_ =	sdelay $0x3  }
0xa: {  	_ =	strace s18  }
0xb: {  	s1 =	sld [smem:$0x3FFC];
	_ =	sdelay $0x3  }
0xc: {  	_ =	strace s1  }
0xd: {  	s1 =	sld [smem:$0x3FFD];
	_ =	sdelay $0x3  }
0xe: {  	_ =	strace s1  }
0xf: {  	_ =	strace $0x8FFFFFFF  }
0x10: {  	s19 =	sld [smem:$0x3FDB];
	_ =	sdelay $0x1  }
0x11: {  	s20 =	simm.s32 $_scs_section_size  }
0x12: {  	s4 =	simm.s32 $_size__tile_overlayer_lowered;
	s5 =	simm.s32 $_tile_overlayer_lowered  }
0x13: {  	s23 =	simm.s32 $0x1BFF;
	s22 =	sshll.u32 s5, $0x1;
	s1 =	sadd.s32 s20, s19  }
0x14: {  	s6 =	simm.s32 $0x0;
	s21 =	sshll.u32 s4, $0x1;
	s4 =	sadd.s32 s22, s1  }
0x15: {  	[timem:s6], [sflag:s23] =	dma.local [hbm:s4], s21  }
0x16: {  	_ =	swait.ge [sflag:s23], s21  }
0x17: {  	s2 =	ssub.s32 $0x0, s21;
	[sflag:s23] =	ssyncset.done $0x0  }
0x18: {  	[sflag:s23] =	ssyncadd.s32 s2;
	_ =	sdelay $0x1  }
0x19: {  	s24 =	simm.s32 $0x1B8B  }
0x1a: {  	_ =	swait.ge [sflag:s24], $0x1  }
0x1b: {  	[sflag:s24] =	ssyncset.done $0x0  }
0x1c: {  	s26 =	simm.s32 $0x1B8E;
	s25 =	sld [smem:$0x3FFE];
	[sflag:s24] =	ssyncadd.s32 $0xFFFFFFFF  }
0x1d: {  	s27 =	simm.s32 $execute0_lowered;
	[smem:$0x3FD2] =	sst s26  }
0x1e: {  	s4 =	sshll.u32 s27, $0x1;
	_ =	strace $0x8000004F;
	[dreg:$0x1] =	wrdreg $0xFFFFFFFF  }
0x1f: {  	s28 =	simm.s32 $_size_execute0_lowered;
	s1 =	sadd.s32 s1, s4;
	[dreg:$0x0] =	wrdreg $0x0  }
0x20: {  	s4 =	sshll.u32 s28, $0x1;
	[dreg:$0x2] =	wrdreg s1  }
0x21: {  	[dreg:$0x3] =	wrdreg s4  }
0x22: {  	[dreg:$0x4] =	wrdreg $0xC0  }
0x23: {  	_ =	task [dreg:s6], $0x5FFFF  }
0x24: {  	[dreg:$0x1] =	wrdreg $0xFFFFFFFF  }
0x25: {  	[dreg:$0x0] =	wrdreg $0x60  }
0x26: {  	[dreg:$0x2] =	wrdreg s25  }
0x27: {  	[dreg:$0x3] =	wrdreg $0x9  }
0x28: {  	_ =	task.clear_ibuf [dreg:s6], $0x4FFFF;
	_ =	strace $0x9000004F  }
0x29: {  	s29 =	simm.s32 $0x9;
	_ =	strace $0x80000051  }
0x2a: {  	_ =	swait.ge [sflag:s29], $0x1  }
0x2b: {  	[sflag:s29] =	ssyncadd.s32 $0xFFFFFFFF  }
0x2c: {  	_ =	strace $0x90000051  }
0x2d: {  	_ =	sfence  }
0x2e: {  	s30 =	sld [smem:$0x0];
	_ =	sdelay $0x2  }
0x2f: {  	s31 =	sshll.u32 s3, $0xD;
	s3 =	sshrl.u32 s3, $0x2  }
0x30: {  	s2 =	sand.u32 $0x4000, s31;
	s1 =	sadd.s32 s3, s30  }
0x31: {  	s0 =	sor.u32 s2, s0;
	s1 =	sshll.u32 s1, $0x11  }
0x32: {  	s0 =	sor.u32 s1, s0  }
0x33: {  	s0 =	sadd.s32 $0x8F2B, s0  }
0x34: {  	[sflag:s0] =	ssyncadd.remote.s32 $0x1  }
0x35: {  	_ =	sfence.sel $0xFFFF  }
0x36: {  	[dreg:$0x0] =	wrdreg $0xFFFFFFFF;
	(pc) =	sbr.abs _section_cstart, $3  }
0x37: {  	[dreg:$0x1] =	wrdreg $0xFFFFFFFF  }
0x38: {  	_ =	task.clear_ibuf [dreg:s6], $0x2FFFF;
	_ =	strace $0x9FFFFFFF  }
0x39: {  	(tm) =	ssettm $0x7FFFFFFF  }
tec
execute0_lowered:
.L_overlay_start_1:
0x0: {  	(tag) =	ssettag $0x1  }
0x1: {  	s0 =	srdreg.scid  }
0x2: {  	s1 =	sshll.u32 s0, $0x4  }
0x3: {  	s4 =	rddreg [dreg:$0x0];
	s0 =	stileid.u32;
	s1 =	sand.u32 $0x10, s1  }
0x4: {  	s7 =	simm.s32 $0x1;
	s8 =	simm.s32 $0x2;
	s2 =	sor.u32 s0, s1  }
0x5: {  	s9 =	simm.s32 $0x0;
	s12 =	simm.s32 $0x0;
	s2 =	sshll.u32 s2, $0x1  }
0x6: {  	s11 =	simm.s32 $0x0;
	s3 =	sadd.s32 $0x102400, s4;
	s6 =	ssub.s32 $0x400, s2  }
.Ltmp0:
0x7: {  	s4 =	sadd.s32 $0x2400, s4;
	s5 =	sand.u32 $0x3E, s6;
	(pc) =	sbr.rel .LBB1_1-.Ltmp0, $4  }
0x8: {  	s1 =	rddreg [dreg:$0x1];
	_ =	strace $0x80000050;
	p0 =	sne.s32 s5, $0x0  }
0x9: {  	s6 =	sshrl.u32 s6, $0x6;
	s5 =	simm.s32 $0x1;
	s7 =	simm.s32 @!p0 $0x0  }
0xa: {  	s10 =	smov.u32 s2;
	[sflag:s5] =	ssyncpa.u1 $0x0;
	s6 =	sadd.s32 s7, s6  }
0xb: {  	[sflag:s8] =	ssyncpa.u1 $0x0;
	s8 =	simm.s32 $0x0;
	s7 =	sadd.s32 $0x1, s6  }
.LBB1_9:
0xc: {  	s14 =	sadd.s32 $0x40, s10  }
0xd: {  	p1 =	sgt.s32 s14, $0x3FF  }
0xe: {  	s14 =	smov.u32 @p1 s2;
	p1 =	sne.s32 s11, s7  }
.Ltmp1:
0xf: {  	p0 =	slt.u32 s11, $0x2;
	(pc) =	sbr.rel @!p1 .LBB1_10-.Ltmp1, $4  }
0x10: {  	s13 =	simm.s32 @!p0 $0x2  }
0x11: {  	s15 =	sadd.s32 $0x1, s11;
	_ =	swait.ge @!p0 [sflag:s13], $0x4000  }
0x12: {  	s12 =	smov.u32 s10;
	s9 =	sadd.s32 $0x4000, s9;
	[sflag:s13] =	ssyncset.done @!p0 $0x0  }
0x13: {  	s11 =	smov.u32 s15;
	s10 =	smov.u32 s14;
	[sflag:s13] =	ssyncadd.s32 @!p0 $0xFFFFC000  }
.LBB1_1:
0x14: {  	p0 =	sge.u32 s11, s6  }
0x15: {  	s13 =	sxor.u32 @!p0 $0xFFFFFFFF, s11  }
0x16: {  	s31 =	sadd.s32 $0xFFFFFFFF, s11;
	s14 =	sshll.u32 @!p0 s10, $0xA;
	s13 =	sshll.u32 @!p0 s13, $0xE  }
0x17: {  	s15 =	simm.s32 @!p0 $0x0;
	s14 =	sadd.s32 @!p0 s3, s14;
	s13 =	sand.u32 @!p0 $0x4000, s13  }
0x18: {  	[tilespmem:s13], [sflag:$0x1] =	stream.linear.gather @!p0 [hbm4b:s14+s15], $0x4000, $0x38;
	[tilespmem:$0x10000] =	vst v63  }
0x19: {  	p0 =	sge.u32 s31, s6  }
.Ltmp2:
0x1a: {  	_ = 	snop;
	(pc) =	sbr.rel @p0 .LBB1_9-.Ltmp2, $1  }
0x1b: {  	_ =	sdelay $0x3  }
0x1c: {  	s13 =	sshll.u32 s9, $0x2  }
0x1d: {  	_ =	swait.ge [sflag:s5], $0x4000;
	s14 =	sshll.u32 s11, $0xE;
	s16 =	simm.s32 $0x0  }
0x1e: {  	p1 =	por $0x1, $0x1;
	s13 =	sand.u32 $0x10000, s13;
	[sflag:s5] =	ssyncset.done $0x0  }
0x1f: {  	s14 =	sand.u32 $0x4000, s14;
	s15 =	sshrl.u32 s13, $0x2;
	[sflag:s5] =	ssyncadd.s32 $0xFFFFC000  }
0x20: {  	s13 =	sor.u32 $0x8000, s14;
	s14 =	sadd.s32 $0x8040, s15;
	s15 =	sadd.s32 $0x40, s15  }
.LBB1_3:
0x21: {  	s16 =	sshll.u32 s16, $0x2  }
0x22: {  	p0 =	por p1, p1;
	s17 =	sshra.s32 s16, $0x2  }
0x23: {  	s18 =	simm.s32 $0x0;
	s16 =	sadd.s32 s17, s14;
	s17 =	sadd.s32 s17, s15  }
.LBB1_4:
0x24: {  	v0 =	vmov s17;
	_ =	sdelay $0x3  }
0x25: {  	s20 =	simm.s32 $0x0  }
0x26: {  	v6 =	vld.idx.msk [tilespmem:v0+s20+$0x30 ss:$0x1], $0xffff  }
0x27: {  	v7 =	vld.idx.msk [tilespmem:v0+s20+$0xFFFFFFC0 ss:$0x1], $0xffff  }
0x28: {  	v5 =	vld.idx.msk [tilespmem:v0+s20+$0xFFFFFFD0 ss:$0x1], $0xffff  }
0x29: {  	v4 =	vld.idx.msk [tilespmem:v0+s20+$0xFFFFFFE0 ss:$0x1], $0xffff  }
0x2a: {  	v3 =	vld.idx.msk [tilespmem:v0+s20+$0xFFFFFFF0 ss:$0x1], $0xffff  }
0x2b: {  	v1 =	vld.idx.msk [tilespmem:v0+s20+$0x0 ss:$0x1], $0xffff  }
0x2c: {  	v2 =	vld.idx.msk [tilespmem:v0+s20+$0x10 ss:$0x1], $0xffff;
	[tilespmem:s16+$0x30] =	vst v6  }
0x2d: {  	s19 =	simm.s32 $0x80;
	s21 =	simm.s32 $0x400;
	[tilespmem:s16+$0xFFFFFFC0] =	vst v7;
	v6 =	vld.idx.msk [tilespmem:v0+s20+$0x20 ss:$0x1], $0xffff;
	s20 =	smov.u32 s16  }
.LBB1_5:
0x2e: {  	p1 =	sne.s32 s21, $0xE00;
	v7 =	vld.idx.msk [tilespmem:v0+s19+$0x30 ss:$0x1], $0xffff;
	[tilespmem:s20+$0xFFFFFFD0] =	vst v5  }
0x2f: {  	v8 =	vld.idx.msk [tilespmem:v0+s19+$0xFFFFFFC0 ss:$0x1], $0xffff;
	[tilespmem:s20+$0xFFFFFFE0] =	vst v4  }
0x30: {  	v5 =	vld.idx.msk [tilespmem:v0+s19+$0xFFFFFFD0 ss:$0x1], $0xffff;
	[tilespmem:s20+$0xFFFFFFF0] =	vst v3  }
.Ltmp3:
0x31: {  	v4 =	vld.idx.msk [tilespmem:v0+s19+$0xFFFFFFE0 ss:$0x1], $0xffff;
	[tilespmem:s20+$0x0] =	vst v1;
	(pc) =	sbr.rel @p1 .LBB1_5-.Ltmp3, $4  }
0x32: {  	v3 =	vld.idx.msk [tilespmem:v0+s19+$0xFFFFFFF0 ss:$0x1], $0xffff;
	[tilespmem:s20+$0x10] =	vst v2  }
0x33: {  	v1 =	vld.idx.msk [tilespmem:v0+s19+$0x0 ss:$0x1], $0xffff;
	[tilespmem:s20+$0x20] =	vst v6;
	s20 =	sadd.s32 $0x400, s20  }
0x34: {  	v2 =	vld.idx.msk [tilespmem:v0+s19+$0x10 ss:$0x1], $0xffff;
	[tilespmem:s20+$0x30] =	vst v7  }
0x35: {  	[tilespmem:s20+$0xFFFFFFC0] =	vst v8;
	v6 =	vld.idx.msk [tilespmem:v0+s19+$0x20 ss:$0x1], $0xffff;
	s19 =	sshra.s32 s21, $0x2;
	s21 =	sadd.s32 $0x200, s21  }
0x36: {  	_ =	sdelay $0x2  }
0x37: {  	[tilespmem:s20+$0xFFFFFFD0] =	vst v5  }
0x38: {  	v56 =	vld.idx.msk [tilespmem:v0+s19+$0x30 ss:$0x1], $0xffff;
	[tilespmem:s20+$0xFFFFFFE0] =	vst v4  }
0x39: {  	v57 =	vld.idx.msk [tilespmem:v0+s19+$0xFFFFFFC0 ss:$0x1], $0xffff;
	[tilespmem:s20+$0xFFFFFFF0] =	vst v3  }
0x3a: {  	v58 =	vld.idx.msk [tilespmem:v0+s19+$0xFFFFFFD0 ss:$0x1], $0xffff;
	[tilespmem:s20+$0x0] =	vst v1  }
0x3b: {  	v59 =	vld.idx.msk [tilespmem:v0+s19+$0xFFFFFFE0 ss:$0x1], $0xffff;
	[tilespmem:s20+$0x10] =	vst v2  }
0x3c: {  	v60 =	vld.idx.msk [tilespmem:v0+s19+$0xFFFFFFF0 ss:$0x1], $0xffff;
	s31 =	sadd.s32 $0x400, s20;
	[tilespmem:s20+$0x20] =	vst v6  }
0x3d: {  	v61 =	vld.idx.msk [tilespmem:v0+s19+$0x0 ss:$0x1], $0xffff;
	[tilespmem:s31+$0x30] =	vst v56  }
0x3e: {  	v62 =	vld.idx.msk [tilespmem:v0+s19+$0x10 ss:$0x1], $0xffff;
	s18 =	sadd.s32 $0x1, s18;
	[tilespmem:s31+$0xFFFFFFC0] =	vst v57  }
0x3f: {  	v63 =	vld.idx.msk [tilespmem:v0+s19+$0x20 ss:$0x1], $0xffff;
	p1 =	sne.s32 s18, $0x8;
	[tilespmem:s31+$0xFFFFFFD0] =	vst v58  }
.Ltmp4:
0x40: {  	[tilespmem:s31+$0xFFFFFFE0] =	vst v59;
	(pc) =	sbr.rel @p1 .LBB1_4-.Ltmp4, $4  }
0x41: {  	[tilespmem:s31+$0xFFFFFFF0] =	vst v60  }
0x42: {  	[tilespmem:s31+$0x0] =	vst v61  }
0x43: {  	[tilespmem:s31+$0x10] =	vst v62  }
0x44: {  	s16 =	sadd.s32 $0x80, s16;
	s17 =	sadd.s32 $0x400, s17;
	[tilespmem:s31+$0x20] =	vst v63  }
.Ltmp5:
0x45: {  	(pc) =	sbr.rel @p0 .LBB1_3-.Ltmp5, $2  }
0x46: {  	_ =	sdelay $0x2  }
0x47: {  	s16 =	simm.s32 $0x2000;
	p1 =	por $0x0, $0x0  }
.Ltmp6:
0x48: {  	(pc) =	sbr.rel .LBB1_9-.Ltmp6, $4  }
0x49: {  	_ = 	snop  }
0x4a: {  	s12 =	sshll.u32 s12, $0xA  }
0x4b: {  	s12 =	sadd.s32 s4, s12  }
0x4c: {  	[hbm4b:s12+s8] =	stream.linear.scatter [tilespmem:s13], [sflag:$0x2], $0x4000, $0x38;
	[tilespmem:$0x10000] =	vst v63  }
.LBB1_10:
0x4d: {  	_ =	sfence.sel $0x180000  }
0x4e: {  	s2 =	simm.s32 $0x1;
	[bflag:$0x0] =	sbarrier.arrive $0xFFFF  }
0x4f: {  	s31 =	simm.s32 $0x2;
	[sflag:s2] =	ssyncpa.u1 $0x1  }
0x50: {  	[sflag:s31] =	ssyncpa.u1 $0x1  }
0x51: {  	p0 =	sne.s32 s0, $0x0;
	_ =	strace $0x90000050  }
0x52: {  	s0 =	sadd.s32 @!p0 $0x100000, s1;
	[bflag:$0x2] =	sbarrier.arrive $0xFFFF  }
0x53: {  	[sflag:s0] =	ssyncadd.tile.s32 @!p0 $0x1;
	_ =	shalt  }
.Lfunc_end1:
_tile_overlayer_lowered:
.L_overlay_start_2:
0x54: {  	(tag) =	ssettag $0x2  }
0x55: {  	s0 =	rddreg [dreg:$0x0];
	s2 =	stileid.u32  }
0x56: {  	s1 =	rddreg [dreg:$0x1];
	p0 =	sne.s32 s2, $0x0  }
0x57: {  	s3 =	rddreg [dreg:$0x2];
	[bflag:$0x3] =	sbarrier.arrive $0xFFFF;
	s2 =	simm.s32 @!p0 $0x1C01  }
0x58: {  	[timem:s3], [sflag:s2] =	dma.local @!p0 [hbm:s0], s1  }
0x59: {  	s0 =	simm.s32 @!p0 $0x1  }
0x5a: {  	_ =	swait.ge @!p0 [sflag:s0], s1  }
0x5b: {  	s1 =	ssub.s32 @!p0 $0x0, s1;
	[sflag:s0] =	ssyncset.done @!p0 $0x0  }
0x5c: {  	[sflag:s0] =	ssyncadd.s32 @!p0 s1  }
0x5d: {  	[bflag:$0x3] =	sbarrier.arrive $0xFFFF  }
0x5e: {  	_ =	shalt  }

</sc_bundles>
